<compile_context>
chip_gen: v7x
topology: tpu7x:2x2x1
jax: 0.10.2.dev20260603
libtpu: 0.0.44.dev20260713+nightly
codegen_flags: <defaults>
</compile_context>

<pallas_src>
import functools

import jax
import jax.numpy as jnp
from jax import lax
from jax.experimental import pallas as pl
from jax.experimental.pallas import tpu as pltpu
from jax.experimental.pallas import tpu_sc as plsc

N_OUT = 400000
D = 128
NC = 2
NS = 16
NW = NC * NS
BLK = 128
NBLK = N_OUT // BLK
BLK_PER_W = -(-NBLK // NW)

_mesh = plsc.VectorSubcoreMesh(core_axis_name="c", subcore_axis_name="s")

NBUF = 7
K = NBUF - 2


@functools.partial(
    pl.kernel,
    mesh=_mesh,
    out_type=jax.ShapeDtypeStruct((N_OUT, D), jnp.float32),
    scratch_types=[
        pltpu.VMEM((BLK_PER_W * BLK,), jnp.int32),
        pltpu.VMEM((NBUF, BLK, D), jnp.float32),
        pltpu.SemaphoreType.DMA((NBUF,)),
        pltpu.SemaphoreType.DMA((NBUF,)),
    ],
)
def _gather_kernel(table_hbm, idx_hbm, out_hbm, idx_v, rows_v, gsem, wsem):
    wid = lax.axis_index("s") * NC + lax.axis_index("c")
    blk0 = jnp.minimum(wid * BLK_PER_W, NBLK - BLK_PER_W)
    pltpu.sync_copy(idx_hbm.at[pl.ds(blk0 * BLK, BLK_PER_W * BLK)], idx_v)

    def gather_start(j, slot):
        pltpu.async_copy(
            table_hbm.at[idx_v.at[pl.ds(j * BLK, BLK)]],
            rows_v.at[slot], gsem.at[slot])

    def gather_wait(slot):
        pltpu.make_async_copy(
            table_hbm.at[idx_v.at[pl.ds(0, BLK)]],
            rows_v.at[slot], gsem.at[slot]).wait()

    def write_start(j, slot):
        pltpu.async_copy(
            rows_v.at[slot], out_hbm.at[pl.ds((blk0 + j) * BLK, BLK)],
            wsem.at[slot])

    def write_wait(slot):
        pltpu.make_async_copy(
            rows_v.at[slot], out_hbm.at[pl.ds(0, BLK)], wsem.at[slot]).wait()

    for jj in range(K):
        gather_start(jj, jj)

    def body(j, carry):
        b = lax.rem(j, NBUF)
        gather_wait(b)
        write_start(j, b)
        bn = lax.rem(j + K, NBUF)

        @pl.when(j + K - NBUF >= 0)
        def _():
            write_wait(bn)

        @pl.when(j + K < BLK_PER_W)
        def _():
            gather_start(j + K, bn)

        return carry

    lax.fori_loop(0, BLK_PER_W, body, 0)

    for u in range(BLK_PER_W - (NBUF - K), BLK_PER_W):
        write_wait(u % NBUF)


def kernel(inputs, vt_replace, vt_map):
    del vt_replace
    return _gather_kernel(inputs, vt_map)

# --- scband reference (transcript-rebuilt; emitter-appended) ---
"""Pipeline reference for scband-unpool3d-10763188043857 (READ-ONLY COPY).

The authoritative reference and input builder live on the scoring server;
editing this copy changes nothing except your own understanding.
"""

import jax, jax.numpy as jnp
import numpy as np

M_COARSE = 100000
N_FINE = 400000
D_FEAT = 128

def setup_inputs(seed: int = 0) -> dict:
    key = jax.random.key(seed)
    k1, k2, k3 = jax.random.split(key, 3)
    inputs = jax.random.normal(k1, (M_COARSE, D_FEAT), dtype=jnp.float32)
    vt_replace = jax.random.randint(k2, (N_FINE,), 0, 8, dtype=jnp.int32)
    vt_map = jax.random.randint(k3, (N_FINE,), 0, M_COARSE, dtype=jnp.int32)
    return {"inputs": inputs, "vt_replace": vt_replace, "vt_map": vt_map}

def reference(inputs, vt_replace, vt_map):
    # Mesh unpooling (picasso unpool3d.interpolate): each fine-mesh vertex i
    # receives the feature of the coarse vertex it was contracted into,
    # i.e. out[i] = inputs[vt_map[i]] (a gather / embedding-style lookup).
    out = jnp.take(inputs, vt_map, axis=0)
    return out

if __name__ == "__main__":
    import jax
    _d = setup_inputs()
    print(jax.jit(kernel)(*tuple(_d.values())))

</pallas_src>

<mosaic_0001>
#map = affine_map<(d0, d1) -> (0, 0)>
#map1 = affine_map<(d0, d1) -> (0)>
module attributes {stable_mosaic.version = 14 : i64} {
  func.func @_gather_kernel(%arg0: i32, %arg1: i32, %arg2: memref<100000x128xf32, #tpu.memory_space<hbm>>, %arg3: memref<400000xi32, #tpu.memory_space<hbm>>, %arg4: memref<400000x128xf32, #tpu.memory_space<hbm>>, %arg5: memref<12544xi32, #tpu.memory_space<vmem>>, %arg6: memref<7x128x128xf32, #tpu.memory_space<vmem>>, %arg7: memref<7x!tpu.dma_semaphore, #tpu.memory_space<semaphore_mem>>, %arg8: memref<7x!tpu.dma_semaphore, #tpu.memory_space<semaphore_mem>>) attributes {dimension_semantics = [#tpu.dimension_semantics<core_parallel>, #tpu.dimension_semantics<subcore_parallel>], iteration_bounds = array<i64: 2, 16>, scalar_prefetch = 0 : i64, scratch_operands = 4 : i64, tpu.core_type = #tpu.core_type<sc_vector_subcore>, window_params = [{transform_indices = #map}, {transform_indices = #map1}, {transform_indices = #map}]} {
    %mul3A = arith.constant 2 : i32
    %mul3A_0 = arith.muli %arg1, %mul3A : i32
    %add3A = arith.addi %mul3A_0, %arg0 : i32
    %mul3A_1 = arith.constant 98 : i32
    %mul3A_2 = arith.muli %add3A, %mul3A_1 : i32
    %min3A = arith.constant 3027 : i32
    %min3A_3 = arith.minsi %mul3A_2, %min3A : i32
    %mul3A_4 = arith.constant 128 : i32
    %mul3A_5 = arith.muli %min3A_3, %mul3A_4 : i32
    "tpu.region"() ({
      %run_scoped3A = tpu.sem_alloc : memref<!tpu.dma_semaphore, #tpu.memory_space<semaphore_mem>>
      %dma_start3A_110 = tpu.memref_slice %arg3[%mul3A_5] : memref<400000xi32, #tpu.memory_space<hbm>> -> memref<12544xi32, #tpu.memory_space<hbm>>
      %dma_start3A_111 = tpu.memref_slice %arg3[%mul3A_5] : memref<400000xi32, #tpu.memory_space<hbm>> -> memref<12544xi32, #tpu.memory_space<hbm>>
      tpu.enqueue_dma source(%dma_start3A_111 : memref<12544xi32, #tpu.memory_space<hbm>>) target(%arg5 : memref<12544xi32, #tpu.memory_space<vmem>>) target_semaphore(%run_scoped3A : memref<!tpu.dma_semaphore, #tpu.memory_space<semaphore_mem>>)
      %dma_wait3A_112 = tpu.memref_slice %arg3[%mul3A_5] : memref<400000xi32, #tpu.memory_space<hbm>> -> memref<12544xi32, #tpu.memory_space<hbm>>
      %dma_wait3A_113 = tpu.memref_slice %arg3[%mul3A_5] : memref<400000xi32, #tpu.memory_space<hbm>> -> memref<12544xi32, #tpu.memory_space<hbm>>
      tpu.wait_dma2 semaphore(%run_scoped3A : memref<!tpu.dma_semaphore, #tpu.memory_space<semaphore_mem>>) src(%dma_wait3A_113 : memref<12544xi32, #tpu.memory_space<hbm>>) dst(%arg5 : memref<12544xi32, #tpu.memory_space<vmem>>)
      tpu.yield
    }) : () -> ()
    %dma_start3A = arith.constant 0 : i32
    %dma_start3A_6 = arith.constant 0 : i32
    %dma_start3A_7 = arith.constant 0 : i32
    %dma_start3A_8 = arith.constant 0 : i32
    %dma_start3A_9 = tpu.memref_slice %arg6[%dma_start3A, %dma_start3A_7, %dma_start3A_8] : memref<7x128x128xf32, #tpu.memory_space<vmem>> -> memref<1x128x128xf32, #tpu.memory_space<vmem>>
    %dma_start3A_10 = tpu.memref_squeeze %dma_start3A_9 : memref<1x128x128xf32, #tpu.memory_space<vmem>> -> memref<128x128xf32, #tpu.memory_space<vmem>>
    %dma_start3A_11 = arith.constant 0 : i32
    %dma_start3A_12 = tpu.memref_slice %arg5[%dma_start3A_11] : memref<12544xi32, #tpu.memory_space<vmem>> -> memref<128xi32, #tpu.memory_space<vmem>>
    %dma_start3A_13 = arith.constant 0 : i32
    %dma_start3A_14 = arith.constant 0 : i32
    %dma_start3A_15 = tpu.memref_slice %arg2[%dma_start3A_13, %dma_start3A_14] : memref<100000x128xf32, #tpu.memory_space<hbm>> -> memref<100000x128xf32, #tpu.memory_space<hbm>>
    %dma_start3A_16 = tpu.memref_slice %arg7[%dma_start3A_6] : memref<7x!tpu.dma_semaphore, #tpu.memory_space<semaphore_mem>> -> memref<1x!tpu.dma_semaphore, #tpu.memory_space<semaphore_mem>>
    %dma_start3A_17 = tpu.memref_squeeze %dma_start3A_16 : memref<1x!tpu.dma_semaphore, #tpu.memory_space<semaphore_mem>> -> memref<!tpu.dma_semaphore, #tpu.memory_space<semaphore_mem>>
    tpu.enqueue_indirect_dma source(%dma_start3A_15 : memref<100000x128xf32, #tpu.memory_space<hbm>>) target(%dma_start3A_10 : memref<128x128xf32, #tpu.memory_space<vmem>>) offsets(%dma_start3A_12 : memref<128xi32, #tpu.memory_space<vmem>>) semaphore(%dma_start3A_17 : memref<!tpu.dma_semaphore, #tpu.memory_space<semaphore_mem>>)
    %dma_start3A_18 = arith.constant 1 : i32
    %dma_start3A_19 = arith.constant 1 : i32
    %dma_start3A_20 = arith.constant 0 : i32
    %dma_start3A_21 = arith.constant 0 : i32
    %dma_start3A_22 = tpu.memref_slice %arg6[%dma_start3A_18, %dma_start3A_20, %dma_start3A_21] : memref<7x128x128xf32, #tpu.memory_space<vmem>> -> memref<1x128x128xf32, #tpu.memory_space<vmem>>
    %dma_start3A_23 = tpu.memref_squeeze %dma_start3A_22 : memref<1x128x128xf32, #tpu.memory_space<vmem>> -> memref<128x128xf32, #tpu.memory_space<vmem>>
    %dma_start3A_24 = arith.constant 128 : i32
    %dma_start3A_25 = tpu.memref_slice %arg5[%dma_start3A_24] : memref<12544xi32, #tpu.memory_space<vmem>> -> memref<128xi32, #tpu.memory_space<vmem>>
    %dma_start3A_26 = arith.constant 0 : i32
    %dma_start3A_27 = arith.constant 0 : i32
    %dma_start3A_28 = tpu.memref_slice %arg2[%dma_start3A_26, %dma_start3A_27] : memref<100000x128xf32, #tpu.memory_space<hbm>> -> memref<100000x128xf32, #tpu.memory_space<hbm>>
    %dma_start3A_29 = tpu.memref_slice %arg7[%dma_start3A_19] : memref<7x!tpu.dma_semaphore, #tpu.memory_space<semaphore_mem>> -> memref<1x!tpu.dma_semaphore, #tpu.memory_space<semaphore_mem>>
    %dma_start3A_30 = tpu.memref_squeeze %dma_start3A_29 : memref<1x!tpu.dma_semaphore, #tpu.memory_space<semaphore_mem>> -> memref<!tpu.dma_semaphore, #tpu.memory_space<semaphore_mem>>
    tpu.enqueue_indirect_dma source(%dma_start3A_28 : memref<100000x128xf32, #tpu.memory_space<hbm>>) target(%dma_start3A_23 : memref<128x128xf32, #tpu.memory_space<vmem>>) offsets(%dma_start3A_25 : memref<128xi32, #tpu.memory_space<vmem>>) semaphore(%dma_start3A_30 : memref<!tpu.dma_semaphore, #tpu.memory_space<semaphore_mem>>)
    %dma_start3A_31 = arith.constant 2 : i32
    %dma_start3A_32 = arith.constant 2 : i32
    %dma_start3A_33 = arith.constant 0 : i32
    %dma_start3A_34 = arith.constant 0 : i32
    %dma_start3A_35 = tpu.memref_slice %arg6[%dma_start3A_31, %dma_start3A_33, %dma_start3A_34] : memref<7x128x128xf32, #tpu.memory_space<vmem>> -> memref<1x128x128xf32, #tpu.memory_space<vmem>>
    %dma_start3A_36 = tpu.memref_squeeze %dma_start3A_35 : memref<1x128x128xf32, #tpu.memory_space<vmem>> -> memref<128x128xf32, #tpu.memory_space<vmem>>
    %dma_start3A_37 = arith.constant 256 : i32
    %dma_start3A_38 = tpu.memref_slice %arg5[%dma_start3A_37] : memref<12544xi32, #tpu.memory_space<vmem>> -> memref<128xi32, #tpu.memory_space<vmem>>
    %dma_start3A_39 = arith.constant 0 : i32
    %dma_start3A_40 = arith.constant 0 : i32
    %dma_start3A_41 = tpu.memref_slice %arg2[%dma_start3A_39, %dma_start3A_40] : memref<100000x128xf32, #tpu.memory_space<hbm>> -> memref<100000x128xf32, #tpu.memory_space<hbm>>
    %dma_start3A_42 = tpu.memref_slice %arg7[%dma_start3A_32] : memref<7x!tpu.dma_semaphore, #tpu.memory_space<semaphore_mem>> -> memref<1x!tpu.dma_semaphore, #tpu.memory_space<semaphore_mem>>
    %dma_start3A_43 = tpu.memref_squeeze %dma_start3A_42 : memref<1x!tpu.dma_semaphore, #tpu.memory_space<semaphore_mem>> -> memref<!tpu.dma_semaphore, #tpu.memory_space<semaphore_mem>>
    tpu.enqueue_indirect_dma source(%dma_start3A_41 : memref<100000x128xf32, #tpu.memory_space<hbm>>) target(%dma_start3A_36 : memref<128x128xf32, #tpu.memory_space<vmem>>) offsets(%dma_start3A_38 : memref<128xi32, #tpu.memory_space<vmem>>) semaphore(%dma_start3A_43 : memref<!tpu.dma_semaphore, #tpu.memory_space<semaphore_mem>>)
    %dma_start3A_44 = arith.constant 3 : i32
    %dma_start3A_45 = arith.constant 3 : i32
    %dma_start3A_46 = arith.constant 0 : i32
    %dma_start3A_47 = arith.constant 0 : i32
    %dma_start3A_48 = tpu.memref_slice %arg6[%dma_start3A_44, %dma_start3A_46, %dma_start3A_47] : memref<7x128x128xf32, #tpu.memory_space<vmem>> -> memref<1x128x128xf32, #tpu.memory_space<vmem>>
    %dma_start3A_49 = tpu.memref_squeeze %dma_start3A_48 : memref<1x128x128xf32, #tpu.memory_space<vmem>> -> memref<128x128xf32, #tpu.memory_space<vmem>>
    %dma_start3A_50 = arith.constant 384 : i32
    %dma_start3A_51 = tpu.memref_slice %arg5[%dma_start3A_50] : memref<12544xi32, #tpu.memory_space<vmem>> -> memref<128xi32, #tpu.memory_space<vmem>>
    %dma_start3A_52 = arith.constant 0 : i32
    %dma_start3A_53 = arith.constant 0 : i32
    %dma_start3A_54 = tpu.memref_slice %arg2[%dma_start3A_52, %dma_start3A_53] : memref<100000x128xf32, #tpu.memory_space<hbm>> -> memref<100000x128xf32, #tpu.memory_space<hbm>>
    %dma_start3A_55 = tpu.memref_slice %arg7[%dma_start3A_45] : memref<7x!tpu.dma_semaphore, #tpu.memory_space<semaphore_mem>> -> memref<1x!tpu.dma_semaphore, #tpu.memory_space<semaphore_mem>>
    %dma_start3A_56 = tpu.memref_squeeze %dma_start3A_55 : memref<1x!tpu.dma_semaphore, #tpu.memory_space<semaphore_mem>> -> memref<!tpu.dma_semaphore, #tpu.memory_space<semaphore_mem>>
    tpu.enqueue_indirect_dma source(%dma_start3A_54 : memref<100000x128xf32, #tpu.memory_space<hbm>>) target(%dma_start3A_49 : memref<128x128xf32, #tpu.memory_space<vmem>>) offsets(%dma_start3A_51 : memref<128xi32, #tpu.memory_space<vmem>>) semaphore(%dma_start3A_56 : memref<!tpu.dma_semaphore, #tpu.memory_space<semaphore_mem>>)
    %dma_start3A_57 = arith.constant 4 : i32
    %dma_start3A_58 = arith.constant 4 : i32
    %dma_start3A_59 = arith.constant 0 : i32
    %dma_start3A_60 = arith.constant 0 : i32
    %dma_start3A_61 = tpu.memref_slice %arg6[%dma_start3A_57, %dma_start3A_59, %dma_start3A_60] : memref<7x128x128xf32, #tpu.memory_space<vmem>> -> memref<1x128x128xf32, #tpu.memory_space<vmem>>
    %dma_start3A_62 = tpu.memref_squeeze %dma_start3A_61 : memref<1x128x128xf32, #tpu.memory_space<vmem>> -> memref<128x128xf32, #tpu.memory_space<vmem>>
    %dma_start3A_63 = arith.constant 512 : i32
    %dma_start3A_64 = tpu.memref_slice %arg5[%dma_start3A_63] : memref<12544xi32, #tpu.memory_space<vmem>> -> memref<128xi32, #tpu.memory_space<vmem>>
    %dma_start3A_65 = arith.constant 0 : i32
    %dma_start3A_66 = arith.constant 0 : i32
    %dma_start3A_67 = tpu.memref_slice %arg2[%dma_start3A_65, %dma_start3A_66] : memref<100000x128xf32, #tpu.memory_space<hbm>> -> memref<100000x128xf32, #tpu.memory_space<hbm>>
    %dma_start3A_68 = tpu.memref_slice %arg7[%dma_start3A_58] : memref<7x!tpu.dma_semaphore, #tpu.memory_space<semaphore_mem>> -> memref<1x!tpu.dma_semaphore, #tpu.memory_space<semaphore_mem>>
    %dma_start3A_69 = tpu.memref_squeeze %dma_start3A_68 : memref<1x!tpu.dma_semaphore, #tpu.memory_space<semaphore_mem>> -> memref<!tpu.dma_semaphore, #tpu.memory_space<semaphore_mem>>
    tpu.enqueue_indirect_dma source(%dma_start3A_67 : memref<100000x128xf32, #tpu.memory_space<hbm>>) target(%dma_start3A_62 : memref<128x128xf32, #tpu.memory_space<vmem>>) offsets(%dma_start3A_64 : memref<128xi32, #tpu.memory_space<vmem>>) semaphore(%dma_start3A_69 : memref<!tpu.dma_semaphore, #tpu.memory_space<semaphore_mem>>)
    %scan3A = arith.constant 0 : i32
    %scan3A_70 = arith.constant 0 : i32
    %scan3A_71 = arith.constant 98 : i32
    %scan3A_72 = arith.addi %scan3A_70, %scan3A_71 : i32
    %scan3A_73 = arith.constant 1 : i32
    scf.for %scan3A_110 = %scan3A_70 to %scan3A_72 step %scan3A_73  : i32 {
      %rem3A = arith.constant 7 : i32
      %rem3A_111 = arith.remsi %scan3A_110, %rem3A : i32
      %dma_wait3A_112 = arith.constant 0 : i32
      %dma_wait3A_113 = arith.constant 0 : i32
      %dma_wait3A_114 = tpu.memref_slice %arg6[%rem3A_111, %dma_wait3A_112, %dma_wait3A_113] : memref<7x128x128xf32, #tpu.memory_space<vmem>> -> memref<1x128x128xf32, #tpu.memory_space<vmem>>
      %dma_wait3A_115 = tpu.memref_squeeze %dma_wait3A_114 : memref<1x128x128xf32, #tpu.memory_space<vmem>> -> memref<128x128xf32, #tpu.memory_space<vmem>>
      %dma_wait3A_116 = arith.constant 0 : i32
      %dma_wait3A_117 = tpu.memref_slice %arg5[%dma_wait3A_116] : memref<12544xi32, #tpu.memory_space<vmem>> -> memref<128xi32, #tpu.memory_space<vmem>>
      %dma_wait3A_118 = arith.constant 0 : i32
      %dma_wait3A_119 = arith.constant 0 : i32
      %dma_wait3A_120 = tpu.memref_slice %arg2[%dma_wait3A_118, %dma_wait3A_119] : memref<100000x128xf32, #tpu.memory_space<hbm>> -> memref<100000x128xf32, #tpu.memory_space<hbm>>
      %dma_wait3A_121 = tpu.memref_slice %arg7[%rem3A_111] : memref<7x!tpu.dma_semaphore, #tpu.memory_space<semaphore_mem>> -> memref<1x!tpu.dma_semaphore, #tpu.memory_space<semaphore_mem>>
      %dma_wait3A_122 = tpu.memref_squeeze %dma_wait3A_121 : memref<1x!tpu.dma_semaphore, #tpu.memory_space<semaphore_mem>> -> memref<!tpu.dma_semaphore, #tpu.memory_space<semaphore_mem>>
      tpu.wait_indirect_dma semaphore(%dma_wait3A_122 : memref<!tpu.dma_semaphore, #tpu.memory_space<semaphore_mem>>) src(%dma_wait3A_120 : memref<100000x128xf32, #tpu.memory_space<hbm>>) dst(%dma_wait3A_115 : memref<128x128xf32, #tpu.memory_space<vmem>>)
      %add3A_123 = arith.addi %min3A_3, %scan3A_110 : i32
      %mul3A_124 = arith.constant 128 : i32
      %mul3A_125 = arith.muli %add3A_123, %mul3A_124 : i32
      %dma_start3A_126 = arith.constant 0 : i32
      %dma_start3A_127 = arith.constant 0 : i32
      %dma_start3A_128 = tpu.memref_slice %arg6[%rem3A_111, %dma_start3A_126, %dma_start3A_127] : memref<7x128x128xf32, #tpu.memory_space<vmem>> -> memref<1x128x128xf32, #tpu.memory_space<vmem>>
      %dma_start3A_129 = tpu.memref_squeeze %dma_start3A_128 : memref<1x128x128xf32, #tpu.memory_space<vmem>> -> memref<128x128xf32, #tpu.memory_space<vmem>>
      %dma_start3A_130 = arith.constant 0 : i32
      %dma_start3A_131 = tpu.memref_slice %arg4[%mul3A_125, %dma_start3A_130] : memref<400000x128xf32, #tpu.memory_space<hbm>> -> memref<128x128xf32, #tpu.memory_space<hbm>>
      %dma_start3A_132 = tpu.memref_slice %arg8[%rem3A_111] : memref<7x!tpu.dma_semaphore, #tpu.memory_space<semaphore_mem>> -> memref<1x!tpu.dma_semaphore, #tpu.memory_space<semaphore_mem>>
      %dma_start3A_133 = tpu.memref_squeeze %dma_start3A_132 : memref<1x!tpu.dma_semaphore, #tpu.memory_space<semaphore_mem>> -> memref<!tpu.dma_semaphore, #tpu.memory_space<semaphore_mem>>
      %dma_start3A_134 = arith.constant 0 : i32
      %dma_start3A_135 = tpu.memref_slice %arg4[%mul3A_125, %dma_start3A_134] : memref<400000x128xf32, #tpu.memory_space<hbm>> -> memref<128x128xf32, #tpu.memory_space<hbm>>
      %dma_start3A_136 = arith.constant 0 : i32
      %dma_start3A_137 = arith.constant 0 : i32
      %dma_start3A_138 = tpu.memref_slice %arg6[%rem3A_111, %dma_start3A_136, %dma_start3A_137] : memref<7x128x128xf32, #tpu.memory_space<vmem>> -> memref<1x128x128xf32, #tpu.memory_space<vmem>>
      %dma_start3A_139 = tpu.memref_squeeze %dma_start3A_138 : memref<1x128x128xf32, #tpu.memory_space<vmem>> -> memref<128x128xf32, #tpu.memory_space<vmem>>
      tpu.enqueue_dma source(%dma_start3A_139 : memref<128x128xf32, #tpu.memory_space<vmem>>) target(%dma_start3A_135 : memref<128x128xf32, #tpu.memory_space<hbm>>) target_semaphore(%dma_start3A_133 : memref<!tpu.dma_semaphore, #tpu.memory_space<semaphore_mem>>)
      %add3A_140 = arith.constant 5 : i32
      %add3A_141 = arith.addi %scan3A_110, %add3A_140 : i32
      %rem3A_142 = arith.constant 7 : i32
      %rem3A_143 = arith.remsi %add3A_141, %rem3A_142 : i32
      %add3A_144 = arith.constant 5 : i32
      %add3A_145 = arith.addi %scan3A_110, %add3A_144 : i32
      %sub3A = arith.constant 7 : i32
      %sub3A_146 = arith.subi %add3A_145, %sub3A : i32
      %ge3A = arith.constant 0 : i32
      %ge3A_147 = arith.cmpi sge, %sub3A_146, %ge3A : i32
      %convert_element_type3A = arith.extui %ge3A_147 : i1 to i32
      %cond3A = arith.constant 0 : i32
      %cond3A_148 = arith.cmpi ne, %convert_element_type3A, %cond3A : i32
      scf.if %cond3A_148 {
        %dma_wait3A_155 = arith.constant 0 : i32
        %dma_wait3A_156 = arith.constant 0 : i32
        %dma_wait3A_157 = tpu.memref_slice %arg6[%rem3A_143, %dma_wait3A_155, %dma_wait3A_156] : memref<7x128x128xf32, #tpu.memory_space<vmem>> -> memref<1x128x128xf32, #tpu.memory_space<vmem>>
        %dma_wait3A_158 = tpu.memref_squeeze %dma_wait3A_157 : memref<1x128x128xf32, #tpu.memory_space<vmem>> -> memref<128x128xf32, #tpu.memory_space<vmem>>
        %dma_wait3A_159 = arith.constant 0 : i32
        %dma_wait3A_160 = arith.constant 0 : i32
        %dma_wait3A_161 = tpu.memref_slice %arg4[%dma_wait3A_159, %dma_wait3A_160] : memref<400000x128xf32, #tpu.memory_space<hbm>> -> memref<128x128xf32, #tpu.memory_space<hbm>>
        %dma_wait3A_162 = tpu.memref_slice %arg8[%rem3A_143] : memref<7x!tpu.dma_semaphore, #tpu.memory_space<semaphore_mem>> -> memref<1x!tpu.dma_semaphore, #tpu.memory_space<semaphore_mem>>
        %dma_wait3A_163 = tpu.memref_squeeze %dma_wait3A_162 : memref<1x!tpu.dma_semaphore, #tpu.memory_space<semaphore_mem>> -> memref<!tpu.dma_semaphore, #tpu.memory_space<semaphore_mem>>
        %dma_wait3A_164 = arith.constant 0 : i32
        %dma_wait3A_165 = arith.constant 0 : i32
        %dma_wait3A_166 = tpu.memref_slice %arg4[%dma_wait3A_164, %dma_wait3A_165] : memref<400000x128xf32, #tpu.memory_space<hbm>> -> memref<128x128xf32, #tpu.memory_space<hbm>>
        %dma_wait3A_167 = arith.constant 0 : i32
        %dma_wait3A_168 = arith.constant 0 : i32
        %dma_wait3A_169 = tpu.memref_slice %arg6[%rem3A_143, %dma_wait3A_167, %dma_wait3A_168] : memref<7x128x128xf32, #tpu.memory_space<vmem>> -> memref<1x128x128xf32, #tpu.memory_space<vmem>>
        %dma_wait3A_170 = tpu.memref_squeeze %dma_wait3A_169 : memref<1x128x128xf32, #tpu.memory_space<vmem>> -> memref<128x128xf32, #tpu.memory_space<vmem>>
        tpu.wait_dma2 semaphore(%dma_wait3A_163 : memref<!tpu.dma_semaphore, #tpu.memory_space<semaphore_mem>>) src(%dma_wait3A_170 : memref<128x128xf32, #tpu.memory_space<vmem>>) dst(%dma_wait3A_166 : memref<128x128xf32, #tpu.memory_space<hbm>>)
      } else {
      }
      %add3A_149 = arith.constant 5 : i32
      %add3A_150 = arith.addi %scan3A_110, %add3A_149 : i32
      %lt3A = arith.constant 98 : i32
      %lt3A_151 = arith.cmpi slt, %add3A_150, %lt3A : i32
      %convert_element_type3A_152 = arith.extui %lt3A_151 : i1 to i32
      %cond3A_153 = arith.constant 0 : i32
      %cond3A_154 = arith.cmpi ne, %convert_element_type3A_152, %cond3A_153 : i32
      scf.if %cond3A_154 {
        %add3A_155 = arith.constant 5 : i32
        %add3A_156 = arith.addi %scan3A_110, %add3A_155 : i32
        %mul3A_157 = arith.constant 128 : i32
        %mul3A_158 = arith.muli %add3A_156, %mul3A_157 : i32
        %dma_start3A_159 = arith.constant 0 : i32
        %dma_start3A_160 = arith.constant 0 : i32
        %dma_start3A_161 = tpu.memref_slice %arg6[%rem3A_143, %dma_start3A_159, %dma_start3A_160] : memref<7x128x128xf32, #tpu.memory_space<vmem>> -> memref<1x128x128xf32, #tpu.memory_space<vmem>>
        %dma_start3A_162 = tpu.memref_squeeze %dma_start3A_161 : memref<1x128x128xf32, #tpu.memory_space<vmem>> -> memref<128x128xf32, #tpu.memory_space<vmem>>
        %dma_start3A_163 = tpu.memref_slice %arg5[%mul3A_158] : memref<12544xi32, #tpu.memory_space<vmem>> -> memref<128xi32, #tpu.memory_space<vmem>>
        %dma_start3A_164 = arith.constant 0 : i32
        %dma_start3A_165 = arith.constant 0 : i32
        %dma_start3A_166 = tpu.memref_slice %arg2[%dma_start3A_164, %dma_start3A_165] : memref<100000x128xf32, #tpu.memory_space<hbm>> -> memref<100000x128xf32, #tpu.memory_space<hbm>>
        %dma_start3A_167 = tpu.memref_slice %arg7[%rem3A_143] : memref<7x!tpu.dma_semaphore, #tpu.memory_space<semaphore_mem>> -> memref<1x!tpu.dma_semaphore, #tpu.memory_space<semaphore_mem>>
        %dma_start3A_168 = tpu.memref_squeeze %dma_start3A_167 : memref<1x!tpu.dma_semaphore, #tpu.memory_space<semaphore_mem>> -> memref<!tpu.dma_semaphore, #tpu.memory_space<semaphore_mem>>
        tpu.enqueue_indirect_dma source(%dma_start3A_166 : memref<100000x128xf32, #tpu.memory_space<hbm>>) target(%dma_start3A_162 : memref<128x128xf32, #tpu.memory_space<vmem>>) offsets(%dma_start3A_163 : memref<128xi32, #tpu.memory_space<vmem>>) semaphore(%dma_start3A_168 : memref<!tpu.dma_semaphore, #tpu.memory_space<semaphore_mem>>)
      } else {
      }
    }
    %scan3A_74 = arith.constant 98 : i32
    %dma_wait3A = arith.constant 5 : i32
    %dma_wait3A_75 = arith.constant 5 : i32
    %dma_wait3A_76 = arith.constant 0 : i32
    %dma_wait3A_77 = arith.constant 0 : i32
    %dma_wait3A_78 = tpu.memref_slice %arg6[%dma_wait3A, %dma_wait3A_76, %dma_wait3A_77] : memref<7x128x128xf32, #tpu.memory_space<vmem>> -> memref<1x128x128xf32, #tpu.memory_space<vmem>>
    %dma_wait3A_79 = tpu.memref_squeeze %dma_wait3A_78 : memref<1x128x128xf32, #tpu.memory_space<vmem>> -> memref<128x128xf32, #tpu.memory_space<vmem>>
    %dma_wait3A_80 = arith.constant 0 : i32
    %dma_wait3A_81 = arith.constant 0 : i32
    %dma_wait3A_82 = tpu.memref_slice %arg4[%dma_wait3A_80, %dma_wait3A_81] : memref<400000x128xf32, #tpu.memory_space<hbm>> -> memref<128x128xf32, #tpu.memory_space<hbm>>
    %dma_wait3A_83 = tpu.memref_slice %arg8[%dma_wait3A_75] : memref<7x!tpu.dma_semaphore, #tpu.memory_space<semaphore_mem>> -> memref<1x!tpu.dma_semaphore, #tpu.memory_space<semaphore_mem>>
    %dma_wait3A_84 = tpu.memref_squeeze %dma_wait3A_83 : memref<1x!tpu.dma_semaphore, #tpu.memory_space<semaphore_mem>> -> memref<!tpu.dma_semaphore, #tpu.memory_space<semaphore_mem>>
    %dma_wait3A_85 = arith.constant 0 : i32
    %dma_wait3A_86 = arith.constant 0 : i32
    %dma_wait3A_87 = tpu.memref_slice %arg4[%dma_wait3A_85, %dma_wait3A_86] : memref<400000x128xf32, #tpu.memory_space<hbm>> -> memref<128x128xf32, #tpu.memory_space<hbm>>
    %dma_wait3A_88 = arith.constant 0 : i32
    %dma_wait3A_89 = arith.constant 0 : i32
    %dma_wait3A_90 = tpu.memref_slice %arg6[%dma_wait3A, %dma_wait3A_88, %dma_wait3A_89] : memref<7x128x128xf32, #tpu.memory_space<vmem>> -> memref<1x128x128xf32, #tpu.memory_space<vmem>>
    %dma_wait3A_91 = tpu.memref_squeeze %dma_wait3A_90 : memref<1x128x128xf32, #tpu.memory_space<vmem>> -> memref<128x128xf32, #tpu.memory_space<vmem>>
    tpu.wait_dma2 semaphore(%dma_wait3A_84 : memref<!tpu.dma_semaphore, #tpu.memory_space<semaphore_mem>>) src(%dma_wait3A_91 : memref<128x128xf32, #tpu.memory_space<vmem>>) dst(%dma_wait3A_87 : memref<128x128xf32, #tpu.memory_space<hbm>>)
    %dma_wait3A_92 = arith.constant 6 : i32
    %dma_wait3A_93 = arith.constant 6 : i32
    %dma_wait3A_94 = arith.constant 0 : i32
    %dma_wait3A_95 = arith.constant 0 : i32
    %dma_wait3A_96 = tpu.memref_slice %arg6[%dma_wait3A_92, %dma_wait3A_94, %dma_wait3A_95] : memref<7x128x128xf32, #tpu.memory_space<vmem>> -> memref<1x128x128xf32, #tpu.memory_space<vmem>>
    %dma_wait3A_97 = tpu.memref_squeeze %dma_wait3A_96 : memref<1x128x128xf32, #tpu.memory_space<vmem>> -> memref<128x128xf32, #tpu.memory_space<vmem>>
    %dma_wait3A_98 = arith.constant 0 : i32
    %dma_wait3A_99 = arith.constant 0 : i32
    %dma_wait3A_100 = tpu.memref_slice %arg4[%dma_wait3A_98, %dma_wait3A_99] : memref<400000x128xf32, #tpu.memory_space<hbm>> -> memref<128x128xf32, #tpu.memory_space<hbm>>
    %dma_wait3A_101 = tpu.memref_slice %arg8[%dma_wait3A_93] : memref<7x!tpu.dma_semaphore, #tpu.memory_space<semaphore_mem>> -> memref<1x!tpu.dma_semaphore, #tpu.memory_space<semaphore_mem>>
    %dma_wait3A_102 = tpu.memref_squeeze %dma_wait3A_101 : memref<1x!tpu.dma_semaphore, #tpu.memory_space<semaphore_mem>> -> memref<!tpu.dma_semaphore, #tpu.memory_space<semaphore_mem>>
    %dma_wait3A_103 = arith.constant 0 : i32
    %dma_wait3A_104 = arith.constant 0 : i32
    %dma_wait3A_105 = tpu.memref_slice %arg4[%dma_wait3A_103, %dma_wait3A_104] : memref<400000x128xf32, #tpu.memory_space<hbm>> -> memref<128x128xf32, #tpu.memory_space<hbm>>
    %dma_wait3A_106 = arith.constant 0 : i32
    %dma_wait3A_107 = arith.constant 0 : i32
    %dma_wait3A_108 = tpu.memref_slice %arg6[%dma_wait3A_92, %dma_wait3A_106, %dma_wait3A_107] : memref<7x128x128xf32, #tpu.memory_space<vmem>> -> memref<1x128x128xf32, #tpu.memory_space<vmem>>
    %dma_wait3A_109 = tpu.memref_squeeze %dma_wait3A_108 : memref<1x128x128xf32, #tpu.memory_space<vmem>> -> memref<128x128xf32, #tpu.memory_space<vmem>>
    tpu.wait_dma2 semaphore(%dma_wait3A_102 : memref<!tpu.dma_semaphore, #tpu.memory_space<semaphore_mem>>) src(%dma_wait3A_109 : memref<128x128xf32, #tpu.memory_space<vmem>>) dst(%dma_wait3A_105 : memref<128x128xf32, #tpu.memory_space<hbm>>)
    return
  }
}

</mosaic_0001>

<sc_bundles>
// kernel: kernel.3.cloned.1.call-start
scs
__scs_entry_jumppad:
0x0: {  	(pc) =	sbr.rel $0x88, $3  }
0x1: {  	(tag) =	ssettag $0x0;
	lr =	simm.s32 $0x1  }
0x2: {  	[smem:$0x3F9F] =	sst lr;
	_ =	strace $0xD0000000  }
0x3: {  	_ = 	snop  }
0x4: {  	_ = 	snop  }
0x5: {  	_ = 	snop  }
0x6: {  	_ = 	snop  }
0x7: {  	_ = 	snop  }
__scs_overlays_trampoline_lowered:
0x8: {  	[smem:$0x3FAE] =	sst s0  }
0x9: {  	[smem:$0x3FAF] =	sst s1  }
0xa: {  	[smem:$0x3FB0] =	sst s2  }
0xb: {  	[smem:$0x3FB1] =	sst s3  }
0xc: {  	[smem:$0x3FB2] =	sst s4  }
0xd: {  	[smem:$0x3FB3] =	sst s5  }
0xe: {  	[smem:$0x3FB4] =	sst s6  }
0xf: {  	[smem:$0x3FB5] =	sst s7  }
0x10: {  	[smem:$0x3FB6] =	sst s8  }
0x11: {  	[smem:$0x3FB7] =	sst s9;
	s0 =	simm.s32 @!p0 $0x0  }
0x12: {  	s1 =	sld [smem:$0x3F9D];
	s0 =	simm.s32 @p0 $0x1  }
0x13: {  	[smem:$0x3FB8] =	sst s0;
	s0 =	simm.s32 @!p1 $0x0  }
0x14: {  	s2 =	sld [smem:$0x3F9C];
	s0 =	simm.s32 @p1 $0x1  }
0x15: {  	[smem:$0x3FB9] =	sst s0;
	s0 =	simm.s32 @!p2 $0x0  }
0x16: {  	s3 =	sld [smem:$0x3FDB];
	s0 =	simm.s32 @p2 $0x1  }
0x17: {  	s4 =	simm.s32 $0x1BF5;
	[smem:$0x3FBB] =	sst s0  }
0x18: {  	s0 =	sld [smem:$0x3F9E];
	_ =	swait.ge [sflag:s4], $0x0  }
0x19: {  	s7 =	sld [smem:$0x3F9F]  }
0x1a: {  	s8 =	sadd.s32 $0xFFFFE003, lr  }
0x1b: {  	s9 =	sadd.s32 $0xFFFFFEF7, lr;
	s5 =	simm.s32 $0xFFFFFFFF;
	p2 =	slt.u32 s8, $0xFFFFF086  }
0x1c: {  	p1 =	slt.u32 s9, $0xF7A;
	s5 =	simm.s32 @!p2 $0x0  }
0x1d: {  	s5 =	simm.s32 @p1 $0x1;
	p0 =	seq.s32 s7, s2  }
0x1e: {  	s7 =	smul.u32 @!p0 $0xF7A, s2;
	p2 =	seq.s32 @!p0 s5, $0x0  }
0x1f: {  	s9 =	smul.u32 $0xF7A, s1;
	s8 =	simm.s32 @!p0 $0x1BF5;
	p2 =	por !p2, p0  }
0x20: {  	[sflag:s8] =	ssyncset.s32 @!p0 $0xFFFFF086;
	s6 =	sadd.s32 @!p0 s3, s7;
	s7 =	simm.s32 @!p0 $0x108  }
0x21: {  	s3 =	sadd.s32 s3, s9;
	s6 =	sadd.s32 @!p0 $0x88, s6;
	s7 =	simm.s32 @p2 $0x1082  }
0x22: {  	[simem:s7], [sflag:s8] =	dma.local @!p0 [hbm:s6], $0xF7A  }
0x23: {  	s9 =	sor.u32 $0xD0000000, s2;
	s6 =	simm.s32 $0x108;
	_ =	swait.ge @!p0 [sflag:s8], $0x0  }
0x24: {  	s3 =	sadd.s32 $0x88, s3;
	s6 =	simm.s32 @!p1 $0x1082;
	[sflag:s4] =	ssyncset.s32 $0xFFFFF086  }
0x25: {  	[simem:s6], [sflag:s4] =	dma.local [hbm:s3], $0xF7A  }
0x26: {  	[smem:$0x3F9F] =	sst s1;
	(tag) =	ssettag s2;
	_ =	strace s9  }
0x27: {  	s1 =	sld [smem:$0x3FAF]  }
0x28: {  	s2 =	sld [smem:$0x3FB0]  }
0x29: {  	s4 =	sld [smem:$0x3FB2]  }
0x2a: {  	p0 =	seq.s32 s5, $0x0;
	s5 =	sld [smem:$0x3FB3]  }
0x2b: {  	s6 =	sld [smem:$0x3FB4]  }
0x2c: {  	s7 =	sld [smem:$0x3FB5]  }
0x2d: {  	s3 =	simm.s32 $0x108;
	s8 =	sld [smem:$0x3FB6]  }
0x2e: {  	s3 =	simm.s32 @!p0 $0x1082;
	s9 =	sld [smem:$0x3FB7]  }
0x2f: {  	lr =	sadd.s32 s0, s3;
	s0 =	sld [smem:$0x3FAE]  }
0x30: {  	s3 =	sld [smem:$0x3FB1]  }
0x31: {  	[smem:$0x3FBA] =	sst s10  }
0x32: {  	s10 =	sld [smem:$0x3FB8];
	_ =	sdelay $0x3  }
0x33: {  	p0 =	seq.s32 s10, $0x1;
	s10 =	sld [smem:$0x3FBA];
	_ =	sdelay $0x3  }
0x34: {  	[smem:$0x3FBA] =	sst s10  }
0x35: {  	s10 =	sld [smem:$0x3FB9];
	_ =	sdelay $0x3  }
0x36: {  	p1 =	seq.s32 s10, $0x1;
	s10 =	sld [smem:$0x3FBA];
	_ =	sdelay $0x3  }
0x37: {  	[smem:$0x3FBA] =	sst s10  }
0x38: {  	s10 =	sld [smem:$0x3FBB]  }
0x39: {  	_ = 	snop;
	(pc) =	sbr.ind lr, $3  }
0x3a: {  	_ = 	snop  }
0x3b: {  	_ = 	snop  }
0x3c: {  	p2 =	seq.s32 s10, $0x1;
	s10 =	sld [smem:$0x3FBA]  }
0x3d: {  	_ =	shalt  }
0x3e: {  	_ =	shalt  }
0x3f: {  	_ =	shalt  }
0x40: {  	_ =	shalt  }
0x41: {  	_ =	shalt  }
0x42: {  	_ =	shalt  }
0x43: {  	_ =	shalt  }
0x44: {  	_ =	shalt  }
0x45: {  	_ =	shalt  }
0x46: {  	_ =	shalt  }
0x47: {  	_ =	shalt  }
0x48: {  	_ =	shalt  }
0x49: {  	_ =	shalt  }
0x4a: {  	_ =	shalt  }
0x4b: {  	_ =	shalt  }
0x4c: {  	_ =	shalt  }
0x4d: {  	_ =	shalt  }
0x4e: {  	_ =	shalt  }
0x4f: {  	_ =	shalt  }
0x50: {  	_ =	shalt  }
0x51: {  	_ =	shalt  }
0x52: {  	_ =	shalt  }
0x53: {  	_ =	shalt  }
0x54: {  	_ =	shalt  }
0x55: {  	_ =	shalt  }
0x56: {  	_ =	shalt  }
0x57: {  	_ =	shalt  }
0x58: {  	_ =	shalt  }
0x59: {  	_ =	shalt  }
0x5a: {  	_ =	shalt  }
0x5b: {  	_ =	shalt  }
0x5c: {  	_ =	shalt  }
0x5d: {  	_ =	shalt  }
0x5e: {  	_ =	shalt  }
0x5f: {  	_ =	shalt  }
0x60: {  	_ =	shalt  }
0x61: {  	_ =	shalt  }
0x62: {  	_ =	shalt  }
0x63: {  	_ =	shalt  }
0x64: {  	_ =	shalt  }
0x65: {  	_ =	shalt  }
0x66: {  	_ =	shalt  }
0x67: {  	_ =	shalt  }
0x68: {  	_ =	shalt  }
0x69: {  	_ =	shalt  }
0x6a: {  	_ =	shalt  }
0x6b: {  	_ =	shalt  }
0x6c: {  	_ =	shalt  }
0x6d: {  	_ =	shalt  }
0x6e: {  	_ =	shalt  }
0x6f: {  	_ =	shalt  }
0x70: {  	_ =	shalt  }
0x71: {  	_ =	shalt  }
0x72: {  	_ =	shalt  }
0x73: {  	_ =	shalt  }
0x74: {  	_ =	shalt  }
0x75: {  	_ =	shalt  }
0x76: {  	_ =	shalt  }
0x77: {  	_ =	shalt  }
0x78: {  	_ =	shalt  }
0x79: {  	_ =	shalt  }
0x7a: {  	_ =	shalt  }
0x7b: {  	_ =	shalt  }
0x7c: {  	_ =	shalt  }
0x7d: {  	_ =	shalt  }
0x7e: {  	_ =	shalt  }
0x7f: {  	_ =	shalt  }
0x80: {  	_ =	shalt  }
0x81: {  	_ =	shalt  }
0x82: {  	_ =	shalt  }
0x83: {  	_ =	shalt  }
0x84: {  	_ =	shalt  }
0x85: {  	_ =	shalt  }
0x86: {  	_ =	shalt  }
0x87: {  	_ =	shalt  }
.Lfunc_end0:
.L_simem_size_0:
called_computation_lowered:
.L_overlay_start_0:
0x88: {  	s2 =	sld [smem:$0x3FD9]  }
0x89: {  	s3 =	sld [smem:$0x3FFE];
	_ =	sdelay $0x1  }
0x8a: {  	s1 =	srdreg.scid  }
0x8b: {  	s0 =	sand.u32 $0x1, s1  }
0x8c: {  	s18 =	sshll.u32 s0, $0xA;
	s2 =	sadd.s32 s3, s2  }
0x8d: {  	s2 =	sadd.s32 s2, s18  }
0x8e: {  	[smem:$0x3FC6] =	sst s2  }
0x8f: {  	_ = 	snop  }
0x90: {  	s2 =	sld [smem:$0x3FC9]  }
0x91: {  	s19 =	sld [smem:$0x3FC8]  }
0x92: {  	s4 =	sld [smem:$0x3FD0];
	(tm) =	ssettm $0x1  }
0x93: {  	s5 =	sld [smem:$0x3FFB];
	_ =	sdelay $0x3  }
0x94: {  	_ =	strace s5  }
0x95: {  	s5 =	sld [smem:$0x3FFC];
	_ =	sdelay $0x3  }
0x96: {  	_ =	strace s5  }
0x97: {  	s5 =	sld [smem:$0x3FFD];
	_ =	sdelay $0x3  }
0x98: {  	_ =	strace s5  }
0x99: {  	_ =	strace $0x8FFFFFFF  }
0x9a: {  	s20 =	sld [smem:$0x3FDB];
	_ =	sdelay $0x1  }
0x9b: {  	s6 =	simm.s32 $_scs_section_size  }
0x9c: {  	s7 =	simm.s32 $_size__tile_overlayer_lowered;
	s8 =	simm.s32 $_tile_overlayer_lowered  }
0x9d: {  	s23 =	simm.s32 $0x1BFF;
	s22 =	sshll.u32 s8, $0x1;
	s5 =	sadd.s32 s6, s20  }
0x9e: {  	s9 =	simm.s32 $0x0;
	s21 =	sshll.u32 s7, $0x1;
	s7 =	sadd.s32 s22, s5  }
0x9f: {  	[timem:s9], [sflag:s23] =	dma.local [hbm:s7], s21  }
0xa0: {  	_ =	swait.ge [sflag:s23], s21  }
0xa1: {  	s6 =	ssub.s32 $0x0, s21;
	[sflag:s23] =	ssyncset.done $0x0  }
0xa2: {  	[sflag:s23] =	ssyncadd.s32 s6;
	_ =	sdelay $0x1  }
0xa3: {  	s24 =	simm.s32 $0x1B8B  }
0xa4: {  	_ =	swait.ge [sflag:s24], $0x1  }
0xa5: {  	[sflag:s24] =	ssyncset.done $0x0  }
0xa6: {  	s25 =	simm.s32 $0x1B8E;
	[sflag:s24] =	ssyncadd.s32 $0xFFFFFFFF  }
0xa7: {  	s26 =	simm.s32 $execute0_lowered;
	[smem:$0x3FD2] =	sst s25  }
0xa8: {  	s6 =	sshll.u32 s26, $0x1;
	_ =	strace $0x80000046;
	[dreg:$0x1] =	wrdreg $0xFFFFFFFF  }
0xa9: {  	s28 =	simm.s32 $_size_execute0_lowered;
	s5 =	sadd.s32 s5, s6;
	[dreg:$0x0] =	wrdreg $0x0  }
0xaa: {  	s6 =	sshll.u32 s28, $0x1;
	[dreg:$0x2] =	wrdreg s5  }
0xab: {  	[dreg:$0x3] =	wrdreg s6  }
0xac: {  	[dreg:$0x4] =	wrdreg $0xC0  }
0xad: {  	_ =	task [dreg:s9], $0x5FFFF  }
0xae: {  	[dreg:$0x1] =	wrdreg $0xFFFFFFFF  }
0xaf: {  	[dreg:$0x0] =	wrdreg $0x60  }
0xb0: {  	[dreg:$0x2] =	wrdreg s2  }
0xb1: {  	[dreg:$0x3] =	wrdreg s19  }
0xb2: {  	[dreg:$0x4] =	wrdreg s4  }
0xb3: {  	[dreg:$0x5] =	wrdreg $0x9  }
0xb4: {  	_ =	task.clear_ibuf [dreg:s9], $0x6FFFF;
	_ =	strace $0x90000046  }
0xb5: {  	s29 =	simm.s32 $0x9;
	_ =	strace $0x80000048  }
0xb6: {  	_ =	swait.ge [sflag:s29], $0x1  }
0xb7: {  	[sflag:s29] =	ssyncadd.s32 $0xFFFFFFFF  }
0xb8: {  	_ =	strace $0x90000048  }
0xb9: {  	_ =	sfence  }
0xba: {  	s30 =	sld [smem:$0x0];
	_ =	sdelay $0x2  }
0xbb: {  	s31 =	sshll.u32 s1, $0xD;
	s1 =	sshrl.u32 s1, $0x2  }
0xbc: {  	s3 =	sand.u32 $0x4000, s31;
	s1 =	sadd.s32 s1, s30  }
0xbd: {  	s0 =	sor.u32 s3, s0;
	s1 =	sshll.u32 s1, $0x11  }
0xbe: {  	s0 =	sor.u32 s1, s0  }
0xbf: {  	s0 =	sadd.s32 $0x8F2B, s0  }
0xc0: {  	[sflag:s0] =	ssyncadd.remote.s32 $0x1  }
0xc1: {  	_ =	sfence.sel $0xFFFF  }
0xc2: {  	[dreg:$0x0] =	wrdreg $0xFFFFFFFF;
	(pc) =	sbr.abs _section_cstart, $3  }
0xc3: {  	[dreg:$0x1] =	wrdreg $0xFFFFFFFF  }
0xc4: {  	_ =	task.clear_ibuf [dreg:s9], $0x2FFFF;
	_ =	strace $0x9FFFFFFF  }
0xc5: {  	(tm) =	ssettm $0x7FFFFFFF  }
tec
execute0_lowered:
.L_overlay_start_1:
0x0: {  	(tag) =	ssettag $0x1  }
0x1: {  	s1 =	rddreg [dreg:$0x0]  }
0x2: {  	s2 =	srdreg.scid;
	s5 =	rddreg [dreg:$0x1]  }
0x3: {  	s0 =	stileid.u32;
	s6 =	rddreg [dreg:$0x2];
	s3 =	simm.s32 $0x0  }
0x4: {  	s10 =	simm.s32 $0x7100;
	s11 =	simm.s32 $0x100;
	s12 =	simm.s32 $0xB100  }
0x5: {  	s13 =	simm.s32 $0x180;
	s14 =	simm.s32 $0xF100;
	s15 =	simm.s32 $0x200  }
0x6: {  	s16 =	simm.s32 $0x13100;
	s17 =	simm.s32 $0xD;
	s18 =	simm.s32 $0xE  }
0x7: {  	s4 =	sand.u32 $0x1, s2;
	s29 =	sshll.u32 s0, $0x1;
	s8 =	smul.u32 $0xC4, s0  }
0x8: {  	s19 =	simm.s32 $0x0;
	s2 =	sor.u32 s4, s29;
	s9 =	smul.u32 $0x62, s4  }
0x9: {  	[smem:$0x7FF] =	sst s3;
	s4 =	ssub.s32 $0x2, s4;
	s7 =	smul.u32 $0x62, s2  }
0xa: {  	s2 =	rddreg [dreg:$0x3];
	_ =	strace $0x80000047;
	s8 =	sadd.s32 s9, s8  }
0xb: {  	s30 =	sshrl.u32 s4, $0x1;
	s7 =	smin.u32 s7, $0xBD3;
	s8 =	smin.u32 s8, $0xBD3  }
0xc: {  	s9 =	ssub.s32 s4, s30;
	s7 =	sshll.u32 s7, $0x4;
	s31 =	sshll.u32 s8, $0xB  }
0xd: {  	s8 =	simm.s32 $0x80;
	s4 =	sadd.s32 s5, s7;
	s5 =	smax.u32 s9, $0x1  }
0xe: {  	s6 =	sadd.s32 s31, s6;
	s7 =	simm.s32 $0xF;
	s9 =	simm.s32 $0x3100  }
.LBB2_1:
0xf: {  	[tilespmem:s3], [sflag:$0xF] =	stream.linear.gather [hbm4b:s4+s3], $0x3100, $0x38;
	[tilespmem:$0x1F100] =	vst v63  }
0x10: {  	_ =	swait.ge [sflag:s7], $0x3100  }
0x11: {  	[sflag:s7] =	ssyncset.done $0x0  }
0x12: {  	[sflag:s7] =	ssyncadd.s32 $0xFFFFCF00  }
0x13: {  	[tilespmem:s9], [sflag:$0x1] =	stream.indirect.gather [hbm4b:s1+s8], $0x80, s3, s8, $0xb8;
	[tilespmem:$0x1F100] =	vst v63  }
0x14: {  	_ = 	snop  }
0x15: {  	[tilespmem:s10], [sflag:$0x2] =	stream.indirect.gather [hbm4b:s1+s8], $0x80, s8, s8, $0xb8;
	[tilespmem:$0x1F100] =	vst v63  }
0x16: {  	_ = 	snop  }
0x17: {  	[tilespmem:s12], [sflag:$0x3] =	stream.indirect.gather [hbm4b:s1+s8], $0x80, s11, s8, $0xb8;
	[tilespmem:$0x1F100] =	vst v63  }
0x18: {  	_ = 	snop  }
0x19: {  	[tilespmem:s14], [sflag:$0x4] =	stream.indirect.gather [hbm4b:s1+s8], $0x80, s13, s8, $0xb8;
	[tilespmem:$0x1F100] =	vst v63  }
0x1a: {  	s20 =	simm.s32 $0x280;
	s21 =	smov.u32 s6;
	s22 =	simm.s32 $0x0  }
0x1b: {  	[tilespmem:s16], [sflag:$0x5] =	stream.indirect.gather [hbm4b:s1+s8], $0x80, s15, s8, $0xb8;
	[tilespmem:$0x1F100] =	vst v63  }
.LBB2_2:
0x1c: {  	s23 =	smul.u32 $0x25, s22;
	_ =	sdelay $0x1  }
0x1d: {  	s24 =	sshrl.u32 s23, $0x8  }
0x1e: {  	s25 =	ssub.s32 s22, s24  }
0x1f: {  	s23 =	sadd.s32 $0xB9, s23;
	s25 =	sand.u32 $0xFE, s25  }
0x20: {  	s30 =	sadd.s32 $0x5, s22;
	s23 =	sshrl.u32 s23, $0x8;
	s25 =	sshrl.u32 s25, $0x1  }
0x21: {  	s26 =	ssub.s32 s30, s23;
	s24 =	sadd.s32 s24, s25  }
0x22: {  	s26 =	sand.u32 $0xFE, s26;
	s24 =	sand.u32 $0xFC, s24  }
0x23: {  	s26 =	sshrl.u32 s26, $0x1;
	s24 =	sshrl.u32 s24, $0x2  }
0x24: {  	s23 =	sadd.s32 s23, s26;
	s24 =	smul.u32 $0x7, s24  }
0x25: {  	s23 =	sand.u32 $0xFC, s23  }
0x26: {  	s23 =	sshrl.u32 s23, $0x2;
	s24 =	ssub.s32 s22, s24  }
0x27: {  	s23 =	smul.u32 $0x7, s23;
	s24 =	sand.u32 $0xFF, s24  }
0x28: {  	s28 =	sadd.s32 $0x1, s24  }
0x29: {  	p0 =	slt.u32 s22, $0x2;
	s23 =	ssub.s32 s30, s23;
	_ =	swait.ge [sflag:s28], $0x4000  }
0x2a: {  	s31 =	sshll.u32 s24, $0xE;
	s24 =	sor.u32 $0x8, s24;
	[sflag:s28] =	ssyncset.done $0x0  }
0x2b: {  	s23 =	sand.u32 $0xFF, s23;
	s26 =	sor.u32 $0x3100, s31;
	[sflag:s28] =	ssyncadd.s32 $0xFFFFC000  }
0x2c: {  	[hbm4b:s21+s3] =	stream.linear.scatter [tilespmem:s26], [sflag:s24], $0x4000, $0x38;
	[tilespmem:$0x1F100] =	vst v63  }
0x2d: {  	s24 =	sadd.s32 @!p0 $0x8, s23  }
0x2e: {  	_ =	swait.ge @!p0 [sflag:s24], $0x4000  }
0x2f: {  	p1 =	sgt.u32 @!p0 s22, $0x5C;
	s22 =	sadd.s32 $0x1, s22;
	[sflag:s24] =	ssyncset.done @!p0 $0x0  }
0x30: {  	p1 =	por p0, !p1;
	[sflag:s24] =	ssyncadd.s32 @!p0 $0xFFFFC000;
	p0 =	sne.s32 s22, $0x62  }
.Ltmp0:
0x31: {  	_ = 	snop;
	(pc) =	sbr.rel @p0 .LBB2_2-.Ltmp0, $4  }
0x32: {  	s24 =	sshll.u32 @p1 s23, $0xE  }
0x33: {  	s23 =	sadd.s32 @p1 $0x1, s23;
	s24 =	sor.u32 @p1 $0x3100, s24  }
0x34: {  	[tilespmem:s24], [sflag:s23] =	stream.indirect.gather @p1 [hbm4b:s1+s8], $0x80, s20, s8, $0xb8;
	[tilespmem:$0x1F100] =	vst v63  }
0x35: {  	s21 =	sadd.s32 $0x800, s21;
	s20 =	sadd.s32 $0x80, s20  }
0x36: {  	s19 =	sadd.s32 $0x1, s19  }
0x37: {  	_ =	swait.ge [sflag:s17], $0x4000;
	p0 =	sne.s32 s19, s5  }
.Ltmp1:
0x38: {  	[sflag:s17] =	ssyncset.done $0x0;
	(pc) =	sbr.rel @p0 .LBB2_1-.Ltmp1, $4  }
0x39: {  	[sflag:s17] =	ssyncadd.s32 $0xFFFFC000  }
0x3a: {  	_ =	swait.ge [sflag:s18], $0x4000  }
0x3b: {  	[sflag:s18] =	ssyncset.done $0x0  }
0x3c: {  	[sflag:s18] =	ssyncadd.s32 $0xFFFFC000  }
0x3d: {  	_ =	sfence.sel $0x180000  }
0x3e: {  	[bflag:$0x0] =	sbarrier.arrive $0xFFFF  }
0x3f: {  	p0 =	sne.s32 s0, $0x0;
	_ =	strace $0x90000047  }
0x40: {  	s0 =	sadd.s32 @!p0 $0x100000, s2;
	[bflag:$0x2] =	sbarrier.arrive $0xFFFF  }
0x41: {  	[sflag:s0] =	ssyncadd.tile.s32 @!p0 $0x1;
	_ =	shalt  }
.Lfunc_end2:
_tile_overlayer_lowered:
.L_overlay_start_2:
0x42: {  	(tag) =	ssettag $0x2  }
0x43: {  	s0 =	rddreg [dreg:$0x0];
	s2 =	stileid.u32  }
0x44: {  	s1 =	rddreg [dreg:$0x1];
	p0 =	sne.s32 s2, $0x0  }
0x45: {  	s3 =	rddreg [dreg:$0x2];
	[bflag:$0x3] =	sbarrier.arrive $0xFFFF;
	s2 =	simm.s32 @!p0 $0x1C0F  }
0x46: {  	[timem:s3], [sflag:s2] =	dma.local @!p0 [hbm:s0], s1  }
0x47: {  	s0 =	simm.s32 @!p0 $0xF  }
0x48: {  	_ =	swait.ge @!p0 [sflag:s0], s1  }
0x49: {  	s1 =	ssub.s32 @!p0 $0x0, s1;
	[sflag:s0] =	ssyncset.done @!p0 $0x0  }
0x4a: {  	[sflag:s0] =	ssyncadd.s32 @!p0 s1  }
0x4b: {  	[bflag:$0x3] =	sbarrier.arrive $0xFFFF  }
0x4c: {  	_ =	shalt  }

</sc_bundles>
